<compile_context>
chip_gen: v7x
topology: tpu7x:2x2x1
jax: 0.10.2.dev20260603
libtpu: 0.0.44.dev20260713+nightly
codegen_flags: <defaults>
</compile_context>

<pallas_src>
import functools

import jax
import jax.numpy as jnp
from jax import lax
from jax.experimental import pallas as pl
from jax.experimental.pallas import tpu as pltpu
from jax.experimental.pallas import tpu_sc as plsc

B = 8
N = 8192
QT = 1024
NQ = N // QT
NSC = 32
KQ = N // 4
BIG = 1 << 30



def _tc_body(q2_ref, kt_ref, tz_ref, pz_ref, idx_ref, ld_ref, s_ref):
    kx = kt_ref[0, 0:1, :]
    ky = kt_ref[0, 1:2, :]
    kk = 0.25 * (kx * kx + ky * ky)
    q2 = q2_ref[0]
    qk = lax.dot_general(q2, kt_ref[0], (((1,), (0,)), ((), ())),
                         preferred_element_type=jnp.float32)
    qx = q2[:, 0:1]
    qy = q2[:, 1:2]
    qq = qx * qx + qy * qy
    d2 = (qq + kk) + qk
    amin = jnp.argmin(d2, axis=1).astype(jnp.int32).reshape(QT, 1)
    tz = tz_ref[0]
    out_idx = jnp.where(tz != 0.0, amin, BIG)
    idx_ref[...] = out_idx.reshape(1, 1, QT, 1)

    pz = pz_ref[0]
    logp = jnp.maximum(jnp.log(pz), -100.0)
    log1mp = jnp.maximum(jnp.log(1.0 - pz), -100.0)
    ld_ref[...] = (log1mp - logp).reshape(1, 1, QT, 1)
    s_ref[...] = jnp.sum(-log1mp).reshape(1, 1, 1, 1)


def _tc_nn(q4, kt, tz, pz):
    return pl.pallas_call(
        _tc_body,
        grid=(B, NQ),
        in_specs=[
            pl.BlockSpec((1, QT, 2), lambda b, t: (b, t, 0)),
            pl.BlockSpec((1, 2, N), lambda b, t: (b, 0, 0)),
            pl.BlockSpec((1, QT, 1), lambda b, t: (b, t, 0)),
            pl.BlockSpec((1, QT, 1), lambda b, t: (b, t, 0)),
        ],
        out_specs=[
            pl.BlockSpec((1, 1, QT, 1), lambda b, t: (b, t, 0, 0)),
            pl.BlockSpec((1, 1, QT, 1), lambda b, t: (b, t, 0, 0)),
            pl.BlockSpec((1, 1, 1, 1), lambda b, t: (b, t, 0, 0)),
        ],
        out_shape=[
            jax.ShapeDtypeStruct((B, NQ, QT, 1), jnp.int32),
            jax.ShapeDtypeStruct((B, NQ, QT, 1), jnp.float32),
            jax.ShapeDtypeStruct((B, NQ, 1, 1), jnp.float32),
        ],
        compiler_params=pltpu.CompilerParams(
            dimension_semantics=("parallel", "parallel")),
    )(q4, kt, tz, pz)



def _sc_body(idx_hbm, ld_hbm, out_hbm, idx_v, ld_v, marked_v, part_v):
    c = lax.axis_index("c")
    s = lax.axis_index("s")
    wid = s * 2 + c
    b = wid // 4
    q = wid % 4
    base_q = b * N
    base_k = q * KQ

    pltpu.sync_copy(idx_hbm.at[pl.ds(base_q, N)], idx_v)
    pltpu.sync_copy(ld_hbm.at[pl.ds(base_q + base_k, KQ)], ld_v)

    zeros16 = jnp.zeros((16,), jnp.float32)
    ones16 = jnp.ones((16,), jnp.float32)

    @pl.loop(0, KQ // 16)
    def _zero(i):
        marked_v[pl.ds(i * 16, 16)] = zeros16

    @pl.loop(0, N // 16)
    def _scatter(j):
        v = idx_v[pl.ds(j * 16, 16)]
        rel = v - base_k
        inb = (rel >= 0) & (rel < KQ)
        relc = jnp.clip(rel, 0, KQ - 1)
        plsc.store_scatter(marked_v, [relc], ones16, mask=inb)

    def _red(i, acc):
        return acc + marked_v[pl.ds(i * 16, 16)] * ld_v[pl.ds(i * 16, 16)]

    acc = lax.fori_loop(0, KQ // 16, _red, jnp.zeros((16,), jnp.float32))
    part_v[...] = acc
    pltpu.sync_copy(part_v, out_hbm.at[wid])


def _sc_scatter_reduce(idx_flat, ld_flat):
    mesh = plsc.VectorSubcoreMesh(core_axis_name="c", subcore_axis_name="s")
    fn = functools.partial(
        pl.kernel,
        out_type=jax.ShapeDtypeStruct((NSC, 16), jnp.float32),
        mesh=mesh,
        compiler_params=pltpu.CompilerParams(needs_layout_passes=False),
        scratch_types=[
            pltpu.VMEM((N,), jnp.int32),
            pltpu.VMEM((KQ,), jnp.float32),
            pltpu.VMEM((KQ,), jnp.float32),
            pltpu.VMEM((16,), jnp.float32),
        ],
    )(_sc_body)
    return fn(idx_flat, ld_flat)



def kernel(preds, targs, label_lengths):
    del label_lengths
    q2 = targs[:, :, 0:2]
    kt = jnp.transpose(preds[:, :, 0:2] * -2.0, (0, 2, 1))
    tz = targs[:, :, 2:3]
    pz = preds[:, :, 2:3]

    idx4, ld4, s4 = _tc_nn(q2, kt, tz, pz)
    idx_flat = idx4.reshape(B * N)
    ld_flat = ld4.reshape(B * N)

    parts = _sc_scatter_reduce(idx_flat, ld_flat)
    loss = (jnp.sum(s4) + jnp.sum(parts)) / jnp.float32(N)
    return loss.astype(jnp.float32)

# --- scband reference (transcript-rebuilt; emitter-appended) ---
"""Pipeline reference for scband-ssl-6459630813843 (READ-ONLY COPY).

The authoritative reference and input builder live on the scoring server;
editing this copy changes nothing except your own understanding.
"""

import jax, jax.numpy as jnp
import numpy as np

B, N = 8, 8192


def setup_inputs(seed: int = 0) -> dict:
    key = jax.random.key(seed)
    k1, k2, k3 = jax.random.split(key, 3)
    preds = jax.random.uniform(k1, (B, N, 3), dtype=jnp.float32)
    targs = jax.random.uniform(k2, (B, N, 3), dtype=jnp.float32)
    label_lengths = jax.random.randint(k3, (B,), 0, N)
    return {"preds": preds, "targs": targs, "label_lengths": label_lengths}


def _nn_indices(queries, keys, chunk=2048):
    # brute-force 1-NN (KDTree.query(..., k=1) equivalent)
    keys_sq = jnp.sum(keys * keys, axis=1)
    idxs = []
    for s in range(0, queries.shape[0], chunk):
        qc = queries[s:s + chunk]
        d2 = jnp.sum(qc * qc, axis=1)[:, None] + keys_sq[None, :] - 2.0 * (qc @ keys.T)
        idxs.append(jnp.argmin(d2, axis=1))
    return jnp.concatenate(idxs, axis=0)


def _bce_mean(p, t):
    # torch BCELoss with log clamped at -100, mean reduction
    logp = jnp.clip(jnp.log(p), -100.0, None)
    log1mp = jnp.clip(jnp.log(1.0 - p), -100.0, None)
    return -jnp.mean(t * logp + (1.0 - t) * log1mp)


def reference(preds, targs, label_lengths):
    loss_tensor = jnp.asarray(0.0, dtype=jnp.float32)
    for i in range(preds.shape[0]):
        p = preds[i]
        t = targs[i]
        # torch: select rows where targ start-of-stroke channel is nonzero, then 1-NN query.
        # jax-traceable equivalent: query all rows, mask out the zero rows in the scatter.
        mask = (t[:, 2] != 0).astype(jnp.float32)
        q_pts = t[:, 0:2]
        k_pts = p[:, 0:2]
        start_indices = _nn_indices(q_pts, k_pts)
        # pred_gt_fitted[start_indices] = 1 for unmasked queries (duplicates collapse to 1)
        pred_gt_fitted = jnp.zeros(p.shape[0], dtype=jnp.float32).at[start_indices].max(mask)
        loss_tensor = loss_tensor + _bce_mean(p[:, 2], pred_gt_fitted)
    return loss_tensor

if __name__ == "__main__":
    import jax
    _d = setup_inputs()
    print(jax.jit(kernel)(*tuple(_d.values())))

</pallas_src>

<mosaic_0001>
#map = affine_map<(d0, d1) -> (0)>
#map1 = affine_map<(d0, d1) -> (0, 0)>
module attributes {stable_mosaic.version = 14 : i64} {
  func.func @_sc_body(%arg0: i32, %arg1: i32, %arg2: memref<65536xi32, #tpu.memory_space<hbm>>, %arg3: memref<65536xf32, #tpu.memory_space<hbm>>, %arg4: memref<32x16xf32, #tpu.memory_space<hbm>>, %arg5: memref<8192xi32, #tpu.memory_space<vmem>>, %arg6: memref<2048xf32, #tpu.memory_space<vmem>>, %arg7: memref<2048xf32, #tpu.memory_space<vmem>>, %arg8: memref<16xf32, #tpu.memory_space<vmem>>) attributes {dimension_semantics = [#tpu.dimension_semantics<core_parallel>, #tpu.dimension_semantics<subcore_parallel>], iteration_bounds = array<i64: 2, 16>, scalar_prefetch = 0 : i64, scratch_operands = 4 : i64, tpu.core_type = #tpu.core_type<sc_vector_subcore>, window_params = [{transform_indices = #map}, {transform_indices = #map}, {transform_indices = #map1}]} {
    %mul3A = arith.constant 2 : i32
    %mul3A_0 = arith.muli %arg1, %mul3A : i32
    %add3A = arith.addi %mul3A_0, %arg0 : i32
    %jit3A = arith.constant 4 : i32
    %div3A = arith.divsi %add3A, %jit3A : i32
    %sign3A = arith.constant 0 : i32
    %sign3A_1 = arith.cmpi sgt, %add3A, %sign3A : i32
    %sign3A_2 = arith.extui %sign3A_1 : i1 to i32
    %sign3A_3 = arith.constant 0 : i32
    %sign3A_4 = arith.cmpi slt, %add3A, %sign3A_3 : i32
    %sign3A_5 = arith.extui %sign3A_4 : i1 to i32
    %sign3A_6 = arith.subi %sign3A_2, %sign3A_5 : i32
    %sign3A_7 = arith.constant 0 : i32
    %sign3A_8 = arith.cmpi sgt, %jit3A, %sign3A_7 : i32
    %sign3A_9 = arith.extui %sign3A_8 : i1 to i32
    %sign3A_10 = arith.constant 0 : i32
    %sign3A_11 = arith.cmpi slt, %jit3A, %sign3A_10 : i32
    %sign3A_12 = arith.extui %sign3A_11 : i1 to i32
    %sign3A_13 = arith.subi %sign3A_9, %sign3A_12 : i32
    %ne3A = arith.cmpi ne, %sign3A_6, %sign3A_13 : i32
    %rem3A = arith.remsi %add3A, %jit3A : i32
    %ne3A_14 = arith.constant 0 : i32
    %ne3A_15 = arith.cmpi ne, %rem3A, %ne3A_14 : i32
    %and3A = arith.andi %ne3A, %ne3A_15 : i1
    %sub3A = arith.constant 1 : i32
    %sub3A_16 = arith.subi %div3A, %sub3A : i32
    %select_n3A = arith.select %and3A, %sub3A_16, %div3A : i32
    %jit3A_17 = arith.constant 4 : i32
    %eq3A = arith.constant 0 : i32
    %eq3A_18 = arith.cmpi eq, %jit3A_17, %eq3A : i32
    %jit3A_19 = arith.constant 1 : i32
    %select_n3A_20 = arith.select %eq3A_18, %jit3A_19, %jit3A_17 : i32
    %rem3A_21 = arith.remsi %add3A, %select_n3A_20 : i32
    %ne3A_22 = arith.constant 0 : i32
    %ne3A_23 = arith.cmpi ne, %rem3A_21, %ne3A_22 : i32
    %lt3A = arith.constant 0 : i32
    %lt3A_24 = arith.cmpi slt, %rem3A_21, %lt3A : i32
    %lt3A_25 = arith.constant 0 : i32
    %lt3A_26 = arith.cmpi slt, %select_n3A_20, %lt3A_25 : i32
    %ne3A_27 = arith.xori %lt3A_24, %lt3A_26 : i1
    %and3A_28 = arith.andi %ne3A_27, %ne3A_23 : i1
    %add3A_29 = arith.addi %rem3A_21, %select_n3A_20 : i32
    %select_n3A_30 = arith.select %and3A_28, %add3A_29, %rem3A_21 : i32
    %mul3A_31 = arith.constant 8192 : i32
    %mul3A_32 = arith.muli %select_n3A, %mul3A_31 : i32
    %mul3A_33 = arith.constant 2048 : i32
    %mul3A_34 = arith.muli %select_n3A_30, %mul3A_33 : i32
    "tpu.region"() ({
      %run_scoped3A = tpu.sem_alloc : memref<!tpu.dma_semaphore, #tpu.memory_space<semaphore_mem>>
      %dma_start3A = tpu.memref_slice %arg2[%mul3A_32] : memref<65536xi32, #tpu.memory_space<hbm>> -> memref<8192xi32, #tpu.memory_space<hbm>>
      %dma_start3A_57 = tpu.memref_slice %arg2[%mul3A_32] : memref<65536xi32, #tpu.memory_space<hbm>> -> memref<8192xi32, #tpu.memory_space<hbm>>
      tpu.enqueue_dma source(%dma_start3A_57 : memref<8192xi32, #tpu.memory_space<hbm>>) target(%arg5 : memref<8192xi32, #tpu.memory_space<vmem>>) target_semaphore(%run_scoped3A : memref<!tpu.dma_semaphore, #tpu.memory_space<semaphore_mem>>)
      %dma_wait3A = tpu.memref_slice %arg2[%mul3A_32] : memref<65536xi32, #tpu.memory_space<hbm>> -> memref<8192xi32, #tpu.memory_space<hbm>>
      %dma_wait3A_58 = tpu.memref_slice %arg2[%mul3A_32] : memref<65536xi32, #tpu.memory_space<hbm>> -> memref<8192xi32, #tpu.memory_space<hbm>>
      tpu.wait_dma2 semaphore(%run_scoped3A : memref<!tpu.dma_semaphore, #tpu.memory_space<semaphore_mem>>) src(%dma_wait3A_58 : memref<8192xi32, #tpu.memory_space<hbm>>) dst(%arg5 : memref<8192xi32, #tpu.memory_space<vmem>>)
      tpu.yield
    }) : () -> ()
    %add3A_35 = arith.addi %mul3A_32, %mul3A_34 : i32
    "tpu.region"() ({
      %run_scoped3A = tpu.sem_alloc : memref<!tpu.dma_semaphore, #tpu.memory_space<semaphore_mem>>
      %dma_start3A = tpu.memref_slice %arg3[%add3A_35] : memref<65536xf32, #tpu.memory_space<hbm>> -> memref<2048xf32, #tpu.memory_space<hbm>>
      %dma_start3A_57 = tpu.memref_slice %arg3[%add3A_35] : memref<65536xf32, #tpu.memory_space<hbm>> -> memref<2048xf32, #tpu.memory_space<hbm>>
      tpu.enqueue_dma source(%dma_start3A_57 : memref<2048xf32, #tpu.memory_space<hbm>>) target(%arg6 : memref<2048xf32, #tpu.memory_space<vmem>>) target_semaphore(%run_scoped3A : memref<!tpu.dma_semaphore, #tpu.memory_space<semaphore_mem>>)
      %dma_wait3A = tpu.memref_slice %arg3[%add3A_35] : memref<65536xf32, #tpu.memory_space<hbm>> -> memref<2048xf32, #tpu.memory_space<hbm>>
      %dma_wait3A_58 = tpu.memref_slice %arg3[%add3A_35] : memref<65536xf32, #tpu.memory_space<hbm>> -> memref<2048xf32, #tpu.memory_space<hbm>>
      tpu.wait_dma2 semaphore(%run_scoped3A : memref<!tpu.dma_semaphore, #tpu.memory_space<semaphore_mem>>) src(%dma_wait3A_58 : memref<2048xf32, #tpu.memory_space<hbm>>) dst(%arg6 : memref<2048xf32, #tpu.memory_space<vmem>>)
      tpu.yield
    }) : () -> ()
    %broadcast_in_dim3A = arith.constant 0.000000e+00 : f32
    %broadcast_in_dim3A_36 = vector.broadcast %broadcast_in_dim3A : f32 to vector<16xf32>
    %broadcast_in_dim3A_37 = arith.constant 1.000000e+00 : f32
    %broadcast_in_dim3A_38 = vector.broadcast %broadcast_in_dim3A_37 : f32 to vector<16xf32>
    %scan3A = arith.constant 0 : i32
    %scan3A_39 = arith.constant 128 : i32
    %scan3A_40 = arith.addi %scan3A, %scan3A_39 : i32
    %scan3A_41 = arith.constant 1 : i32
    scf.for %scan3A_57 = %scan3A to %scan3A_40 step %scan3A_41  : i32 {
      %mul3A_58 = arith.constant 1 : i32
      %mul3A_59 = arith.muli %scan3A_57, %mul3A_58 : i32
      %add3A_60 = arith.constant 0 : i32
      %add3A_61 = arith.addi %add3A_60, %mul3A_59 : i32
      %mul3A_62 = arith.constant 16 : i32
      %mul3A_63 = arith.muli %add3A_61, %mul3A_62 : i32
      %swap3A_64 = arith.index_cast %mul3A_63 : i32 to index
      %swap3A_65 = tpu.vector_load %arg7[%swap3A_64] {strides = array<i32>} : memref<2048xf32, #tpu.memory_space<vmem>>, vector<16xf32>,
      tpu.vector_store %arg7[%swap3A_64], %broadcast_in_dim3A_36 {strides = array<i32>} : memref<2048xf32, #tpu.memory_space<vmem>>, vector<16xf32>,
    }
    %scan3A_42 = arith.constant 128 : i32
    %scan3A_43 = arith.constant 0 : i32
    %scan3A_44 = arith.constant 512 : i32
    %scan3A_45 = arith.addi %scan3A_43, %scan3A_44 : i32
    %scan3A_46 = arith.constant 1 : i32
    scf.for %scan3A_57 = %scan3A_43 to %scan3A_45 step %scan3A_46  : i32 {
      %mul3A_58 = arith.constant 1 : i32
      %mul3A_59 = arith.muli %scan3A_57, %mul3A_58 : i32
      %add3A_60 = arith.constant 0 : i32
      %add3A_61 = arith.addi %add3A_60, %mul3A_59 : i32
      %mul3A_62 = arith.constant 16 : i32
      %mul3A_63 = arith.muli %add3A_61, %mul3A_62 : i32
      %get3A = arith.index_cast %mul3A_63 : i32 to index
      %get3A_64 = tpu.vector_load %arg5[%get3A] {strides = array<i32>} : memref<8192xi32, #tpu.memory_space<vmem>>, vector<16xi32>,
      %sub3A_65 = vector.broadcast %mul3A_34 : i32 to vector<16xi32>
      %sub3A_66 = arith.subi %get3A_64, %sub3A_65 : vector<16xi32>
      %ge3A = arith.constant 0 : i32
      %ge3A_67 = vector.broadcast %ge3A : i32 to vector<16xi32>
      %ge3A_68 = arith.cmpi sge, %sub3A_66, %ge3A_67 : vector<16xi32>
      %lt3A_69 = arith.constant 2048 : i32
      %lt3A_70 = vector.broadcast %lt3A_69 : i32 to vector<16xi32>
      %lt3A_71 = arith.cmpi slt, %sub3A_66, %lt3A_70 : vector<16xi32>
      %and3A_72 = arith.andi %ge3A_68, %lt3A_71 : vector<16xi1>
      %jit3A_73 = arith.constant 0 : i32
      %jit3A_74 = arith.constant 2047 : i32
      %max3A = vector.broadcast %jit3A_73 : i32 to vector<16xi32>
      %max3A_75 = arith.maxsi %max3A, %sub3A_66 : vector<16xi32>
      %min3A = vector.broadcast %jit3A_74 : i32 to vector<16xi32>
      %min3A_76 = arith.minsi %min3A, %max3A_75 : vector<16xi32>
      tpu.vector_store_idx %arg7[%min3A_76], %broadcast_in_dim3A_38 masked %and3A_72 : memref<2048xf32, #tpu.memory_space<vmem>>[vector<16xi32>], vector<16xf32>, vector<16xi1>
    }
    %scan3A_47 = arith.constant 512 : i32
    %broadcast_in_dim3A_48 = arith.constant 0.000000e+00 : f32
    %broadcast_in_dim3A_49 = vector.broadcast %broadcast_in_dim3A_48 : f32 to vector<16xf32>
    %scan3A_50 = arith.constant 0 : i32
    %scan3A_51 = arith.constant 128 : i32
    %scan3A_52 = arith.addi %scan3A_50, %scan3A_51 : i32
    %scan3A_53 = arith.constant 1 : i32
    %scan3A_54 = scf.for %scan3A_57 = %scan3A_50 to %scan3A_52 step %scan3A_53 iter_args(%scan3A_58 = %broadcast_in_dim3A_49) -> (vector<16xf32>)  : i32 {
      %mul3A_59 = arith.constant 16 : i32
      %mul3A_60 = arith.muli %scan3A_57, %mul3A_59 : i32
      %get3A = arith.index_cast %mul3A_60 : i32 to index
      %get3A_61 = tpu.vector_load %arg7[%get3A] {strides = array<i32>} : memref<2048xf32, #tpu.memory_space<vmem>>, vector<16xf32>,
      %mul3A_62 = arith.constant 16 : i32
      %mul3A_63 = arith.muli %scan3A_57, %mul3A_62 : i32
      %get3A_64 = arith.index_cast %mul3A_63 : i32 to index
      %get3A_65 = tpu.vector_load %arg6[%get3A_64] {strides = array<i32>} : memref<2048xf32, #tpu.memory_space<vmem>>, vector<16xf32>,
      %mul3A_66 = arith.mulf %get3A_61, %get3A_65 : vector<16xf32>
      %add3A_67 = arith.addf %scan3A_58, %mul3A_66 : vector<16xf32>
      scf.yield %add3A_67 : vector<16xf32>
    }
    %scan3A_55 = arith.constant 128 : i32
    %swap3A = arith.constant 0 : index
    %swap3A_56 = tpu.vector_load %arg8[%swap3A] {strides = array<i32>} : memref<16xf32, #tpu.memory_space<vmem>>, vector<16xf32>,
    tpu.vector_store %arg8[%swap3A], %scan3A_54 {strides = array<i32>} : memref<16xf32, #tpu.memory_space<vmem>>, vector<16xf32>,
    "tpu.region"() ({
      %run_scoped3A = tpu.sem_alloc : memref<!tpu.dma_semaphore, #tpu.memory_space<semaphore_mem>>
      %dma_start3A = arith.constant 0 : i32
      %dma_start3A_57 = tpu.memref_slice %arg4[%add3A, %dma_start3A] : memref<32x16xf32, #tpu.memory_space<hbm>> -> memref<1x16xf32, #tpu.memory_space<hbm>>
      %dma_start3A_58 = tpu.memref_squeeze %dma_start3A_57 : memref<1x16xf32, #tpu.memory_space<hbm>> -> memref<16xf32, #tpu.memory_space<hbm>>
      %dma_start3A_59 = arith.constant 0 : i32
      %dma_start3A_60 = tpu.memref_slice %arg4[%add3A, %dma_start3A_59] : memref<32x16xf32, #tpu.memory_space<hbm>> -> memref<1x16xf32, #tpu.memory_space<hbm>>
      %dma_start3A_61 = tpu.memref_squeeze %dma_start3A_60 : memref<1x16xf32, #tpu.memory_space<hbm>> -> memref<16xf32, #tpu.memory_space<hbm>>
      tpu.enqueue_dma source(%arg8 : memref<16xf32, #tpu.memory_space<vmem>>) target(%dma_start3A_61 : memref<16xf32, #tpu.memory_space<hbm>>) target_semaphore(%run_scoped3A : memref<!tpu.dma_semaphore, #tpu.memory_space<semaphore_mem>>)
      %dma_wait3A = arith.constant 0 : i32
      %dma_wait3A_62 = tpu.memref_slice %arg4[%add3A, %dma_wait3A] : memref<32x16xf32, #tpu.memory_space<hbm>> -> memref<1x16xf32, #tpu.memory_space<hbm>>
      %dma_wait3A_63 = tpu.memref_squeeze %dma_wait3A_62 : memref<1x16xf32, #tpu.memory_space<hbm>> -> memref<16xf32, #tpu.memory_space<hbm>>
      %dma_wait3A_64 = arith.constant 0 : i32
      %dma_wait3A_65 = tpu.memref_slice %arg4[%add3A, %dma_wait3A_64] : memref<32x16xf32, #tpu.memory_space<hbm>> -> memref<1x16xf32, #tpu.memory_space<hbm>>
      %dma_wait3A_66 = tpu.memref_squeeze %dma_wait3A_65 : memref<1x16xf32, #tpu.memory_space<hbm>> -> memref<16xf32, #tpu.memory_space<hbm>>
      tpu.wait_dma2 semaphore(%run_scoped3A : memref<!tpu.dma_semaphore, #tpu.memory_space<semaphore_mem>>) src(%arg8 : memref<16xf32, #tpu.memory_space<vmem>>) dst(%dma_wait3A_66 : memref<16xf32, #tpu.memory_space<hbm>>)
      tpu.yield
    }) : () -> ()
    return
  }
}

module attributes {stable_mosaic.version = 14 : i64} {
  func.func @_tc_body(%arg0: i32, %arg1: i32, %arg2: memref<1x1024x2xf32, #tpu.memory_space<vmem>>, %arg3: memref<1x2x8192xf32, #tpu.memory_space<vmem>>, %arg4: memref<1x1024x1xf32, #tpu.memory_space<vmem>>, %arg5: memref<1x1024x1xf32, #tpu.memory_space<vmem>>, %arg6: memref<1x1x1024x1xi32, #tpu.memory_space<vmem>>, %arg7: memref<1x1x1024x1xf32, #tpu.memory_space<vmem>>, %arg8: memref<1x1x1x1xf32, #tpu.memory_space<vmem>>) attributes {dimension_semantics = [#tpu.dimension_semantics<parallel>, #tpu.dimension_semantics<parallel>], iteration_bounds = array<i64: 8, 8>, scalar_prefetch = 0 : i64, scratch_operands = 0 : i64, tpu.core_type = #tpu.core_type<tc>, window_params = [{transform_indices = @transform_0, window_bounds = array<i64: 1, 1024, 2>}, {transform_indices = @transform_1, window_bounds = array<i64: 1, 2, 8192>}, {transform_indices = @transform_2, window_bounds = array<i64: 1, 1024, 1>}, {transform_indices = @transform_3, window_bounds = array<i64: 1, 1024, 1>}, {transform_indices = @transform_4, window_bounds = array<i64: 1, 1, 1024, 1>}, {transform_indices = @transform_5, window_bounds = array<i64: 1, 1, 1024, 1>}, {transform_indices = @transform_6, window_bounds = array<i64: 1, 1, 1, 1>}]} {
    %get3A = arith.constant 0 : index
    %get3A_0 = arith.constant 0 : index
    %get3A_1 = arith.constant 0 : index
    %get3A_2 = vector.load %arg3[%get3A, %get3A_0, %get3A_1] : memref<1x2x8192xf32, #tpu.memory_space<vmem>>, vector<1x1x8192xf32>
    %get3A_3 = vector.shape_cast %get3A_2 : vector<1x1x8192xf32> to vector<1x8192xf32>
    %get3A_4 = arith.constant 0 : index
    %get3A_5 = arith.constant 1 : index
    %get3A_6 = arith.constant 0 : index
    %get3A_7 = vector.load %arg3[%get3A_4, %get3A_5, %get3A_6] : memref<1x2x8192xf32, #tpu.memory_space<vmem>>, vector<1x1x8192xf32>
    %get3A_8 = vector.shape_cast %get3A_7 : vector<1x1x8192xf32> to vector<1x8192xf32>
    %mul3A = arith.mulf %get3A_3, %get3A_3 : vector<1x8192xf32>
    %mul3A_9 = arith.mulf %get3A_8, %get3A_8 : vector<1x8192xf32>
    %add3A = arith.addf %mul3A, %mul3A_9 : vector<1x8192xf32>
    %mul3A_10 = arith.constant 2.500000e-01 : f32
    %mul3A_11 = vector.broadcast %mul3A_10 : f32 to vector<1x8192xf32>
    %mul3A_12 = arith.mulf %mul3A_11, %add3A : vector<1x8192xf32>
    %get3A_13 = arith.constant 0 : index
    %get3A_14 = arith.constant 0 : index
    %get3A_15 = arith.constant 0 : index
    %get3A_16 = vector.load %arg2[%get3A_13, %get3A_14, %get3A_15] : memref<1x1024x2xf32, #tpu.memory_space<vmem>>, vector<1x1024x2xf32>
    %get3A_17 = vector.shape_cast %get3A_16 : vector<1x1024x2xf32> to vector<1024x2xf32>
    %get3A_18 = arith.constant 0 : index
    %get3A_19 = arith.constant 0 : index
    %get3A_20 = arith.constant 0 : index
    %get3A_21 = vector.load %arg3[%get3A_18, %get3A_19, %get3A_20] : memref<1x2x8192xf32, #tpu.memory_space<vmem>>, vector<1x2x8192xf32>
    %get3A_22 = vector.shape_cast %get3A_21 : vector<1x2x8192xf32> to vector<2x8192xf32>
    %dot_general3A = arith.constant dense<0.000000e+00> : vector<1024x8192xf32>
    %dot_general3A_23 = tpu.matmul %get3A_17, %get3A_22, %dot_general3A {dimension_numbers = #tpu.dot_dimension_numbers<[1], [0], [0], [1], [0, 0, 1, 1], [], []>, transpose_lhs_hint = false} : vector<1024x2xf32>, vector<2x8192xf32>, vector<1024x8192xf32> -> vector<1024x8192xf32>
    %slice3A = vector.extract_strided_slice %get3A_17 {offsets = [0, 0], sizes = [1024, 1], strides = [1, 1]} : vector<1024x2xf32> to vector<1024x1xf32>
    %slice3A_24 = vector.extract_strided_slice %get3A_17 {offsets = [0, 1], sizes = [1024, 1], strides = [1, 1]} : vector<1024x2xf32> to vector<1024x1xf32>
    %mul3A_25 = arith.mulf %slice3A, %slice3A : vector<1024x1xf32>
    %mul3A_26 = arith.mulf %slice3A_24, %slice3A_24 : vector<1024x1xf32>
    %add3A_27 = arith.addf %mul3A_25, %mul3A_26 : vector<1024x1xf32>
    %add3A_28 = vector.broadcast %add3A_27 : vector<1024x1xf32> to vector<1024x8192xf32>
    %add3A_29 = vector.broadcast %mul3A_12 : vector<1x8192xf32> to vector<1024x8192xf32>
    %add3A_30 = arith.addf %add3A_28, %add3A_29 : vector<1024x8192xf32>
    %add3A_31 = arith.addf %add3A_30, %dot_general3A_23 : vector<1024x8192xf32>
    %argmin3A = tpu.reduce_index %add3A_31 {axis = 1 : i32, kind = #tpu.reduction_kind<arg_min>} : vector<1024x8192xf32> -> vector<1024xi32>
    %reshape3A = vector.shape_cast %argmin3A : vector<1024xi32> to vector<1024x1xi32>
    %get3A_32 = arith.constant 0 : index
    %get3A_33 = arith.constant 0 : index
    %get3A_34 = arith.constant 0 : index
    %get3A_35 = vector.load %arg4[%get3A_32, %get3A_33, %get3A_34] : memref<1x1024x1xf32, #tpu.memory_space<vmem>>, vector<1x1024x1xf32>
    %get3A_36 = vector.shape_cast %get3A_35 : vector<1x1024x1xf32> to vector<1024x1xf32>
    %ne3A = arith.constant 0.000000e+00 : f32
    %ne3A_37 = vector.broadcast %ne3A : f32 to vector<1024x1xf32>
    %ne3A_38 = arith.cmpf one, %get3A_36, %ne3A_37 : vector<1024x1xf32>
    %jit3A = arith.constant 1073741824 : i32
    %broadcast_in_dim3A = vector.broadcast %jit3A : i32 to vector<1024x1xi32>
    %select_n3A = arith.select %ne3A_38, %reshape3A, %broadcast_in_dim3A : vector<1024x1xi1>, vector<1024x1xi32>
    %reshape3A_39 = vector.shape_cast %select_n3A : vector<1024x1xi32> to vector<1x1x1024x1xi32>
    %swap3A = arith.constant 0 : index
    %swap3A_40 = arith.constant 0 : index
    %swap3A_41 = arith.constant 0 : index
    %swap3A_42 = arith.constant 0 : index
    %swap3A_43 = vector.load %arg6[%swap3A, %swap3A_40, %swap3A_41, %swap3A_42] : memref<1x1x1024x1xi32, #tpu.memory_space<vmem>>, vector<1x1x1024x1xi32>
    tpu.vector_store %arg6[%swap3A, %swap3A_40, %swap3A_41, %swap3A_42], %reshape3A_39 {strides = array<i32>} : memref<1x1x1024x1xi32, #tpu.memory_space<vmem>>, vector<1x1x1024x1xi32>,
    %get3A_44 = arith.constant 0 : index
    %get3A_45 = arith.constant 0 : index
    %get3A_46 = arith.constant 0 : index
    %get3A_47 = vector.load %arg5[%get3A_44, %get3A_45, %get3A_46] : memref<1x1024x1xf32, #tpu.memory_space<vmem>>, vector<1x1024x1xf32>
    %get3A_48 = vector.shape_cast %get3A_47 : vector<1x1024x1xf32> to vector<1024x1xf32>
    %log3A = math.log %get3A_48 : vector<1024x1xf32>
    %max3A = arith.constant -1.000000e+02 : f32
    %max3A_49 = vector.broadcast %max3A : f32 to vector<1024x1xf32>
    %max3A_50 = arith.maximumf %log3A, %max3A_49 : vector<1024x1xf32>
    %sub3A = arith.constant 1.000000e+00 : f32
    %sub3A_51 = vector.broadcast %sub3A : f32 to vector<1024x1xf32>
    %sub3A_52 = arith.subf %sub3A_51, %get3A_48 : vector<1024x1xf32>
    %log3A_53 = math.log %sub3A_52 : vector<1024x1xf32>
    %max3A_54 = arith.constant -1.000000e+02 : f32
    %max3A_55 = vector.broadcast %max3A_54 : f32 to vector<1024x1xf32>
    %max3A_56 = arith.maximumf %log3A_53, %max3A_55 : vector<1024x1xf32>
    %sub3A_57 = arith.subf %max3A_56, %max3A_50 : vector<1024x1xf32>
    %reshape3A_58 = vector.shape_cast %sub3A_57 : vector<1024x1xf32> to vector<1x1x1024x1xf32>
    %swap3A_59 = arith.constant 0 : index
    %swap3A_60 = arith.constant 0 : index
    %swap3A_61 = arith.constant 0 : index
    %swap3A_62 = arith.constant 0 : index
    %swap3A_63 = vector.load %arg7[%swap3A_59, %swap3A_60, %swap3A_61, %swap3A_62] : memref<1x1x1024x1xf32, #tpu.memory_space<vmem>>, vector<1x1x1024x1xf32>
    tpu.vector_store %arg7[%swap3A_59, %swap3A_60, %swap3A_61, %swap3A_62], %reshape3A_58 {strides = array<i32>} : memref<1x1x1024x1xf32, #tpu.memory_space<vmem>>, vector<1x1x1024x1xf32>,
    %neg3A = arith.constant 0.000000e+00 : f32
    %neg3A_64 = vector.broadcast %neg3A : f32 to vector<1024x1xf32>
    %neg3A_65 = arith.subf %neg3A_64, %max3A_56 : vector<1024x1xf32>
    %reduce_sum3A = vector.shape_cast %neg3A_65 : vector<1024x1xf32> to vector<1x1024x1xf32>
    %reduce_sum3A_66 = arith.constant dense<0.000000e+00> : vector<1xf32>
    %reduce_sum3A_67 = vector.multi_reduction <add>, %reduce_sum3A, %reduce_sum3A_66 [1, 2] : vector<1x1024x1xf32> to vector<1xf32>
    %reduce_sum3A_68 = vector.shape_cast %reduce_sum3A_67 : vector<1xf32> to vector<1x1x1xf32>
    %reduce_sum3A_69 = vector.extract %reduce_sum3A_68[0, 0, 0] : f32 from vector<1x1x1xf32>
    %reshape3A_70 = vector.broadcast %reduce_sum3A_69 : f32 to vector<1x1x1x1xf32>
    %swap3A_71 = arith.constant 0 : index
    %swap3A_72 = arith.constant 0 : index
    %swap3A_73 = arith.constant 0 : index
    %swap3A_74 = arith.constant 0 : index
    %swap3A_75 = vector.load %arg8[%swap3A_71, %swap3A_72, %swap3A_73, %swap3A_74] : memref<1x1x1x1xf32, #tpu.memory_space<vmem>>, vector<1x1x1x1xf32>
    tpu.vector_store %arg8[%swap3A_71, %swap3A_72, %swap3A_73, %swap3A_74], %reshape3A_70 {strides = array<i32>} : memref<1x1x1x1xf32, #tpu.memory_space<vmem>>, vector<1x1x1x1xf32>,
    return
  }
  func.func @transform_0(%arg0: i32, %arg1: i32) -> (i32, i32, i32) {
    %c0_i32 = arith.constant 0 : i32
    %c0_i32_0 = arith.constant 0 : i32
    return %arg0, %arg1, %c0_i32 : i32, i32, i32
  }
  func.func @transform_1(%arg0: i32, %arg1: i32) -> (i32, i32, i32) {
    %c0_i32 = arith.constant 0 : i32
    %c0_i32_0 = arith.constant 0 : i32
    %c0_i32_1 = arith.constant 0 : i32
    return %arg0, %c0_i32, %c0_i32_0 : i32, i32, i32
  }
  func.func @transform_2(%arg0: i32, %arg1: i32) -> (i32, i32, i32) {
    %c0_i32 = arith.constant 0 : i32
    %c0_i32_0 = arith.constant 0 : i32
    return %arg0, %arg1, %c0_i32 : i32, i32, i32
  }
  func.func @transform_3(%arg0: i32, %arg1: i32) -> (i32, i32, i32) {
    %c0_i32 = arith.constant 0 : i32
    %c0_i32_0 = arith.constant 0 : i32
    return %arg0, %arg1, %c0_i32 : i32, i32, i32
  }
  func.func @transform_4(%arg0: i32, %arg1: i32) -> (i32, i32, i32, i32) {
    %c0_i32 = arith.constant 0 : i32
    %c0_i32_0 = arith.constant 0 : i32
    %c0_i32_1 = arith.constant 0 : i32
    return %arg0, %arg1, %c0_i32, %c0_i32_0 : i32, i32, i32, i32
  }
  func.func @transform_5(%arg0: i32, %arg1: i32) -> (i32, i32, i32, i32) {
    %c0_i32 = arith.constant 0 : i32
    %c0_i32_0 = arith.constant 0 : i32
    %c0_i32_1 = arith.constant 0 : i32
    return %arg0, %arg1, %c0_i32, %c0_i32_0 : i32, i32, i32, i32
  }
  func.func @transform_6(%arg0: i32, %arg1: i32) -> (i32, i32, i32, i32) {
    %c0_i32 = arith.constant 0 : i32
    %c0_i32_0 = arith.constant 0 : i32
    %c0_i32_1 = arith.constant 0 : i32
    return %arg0, %arg1, %c0_i32, %c0_i32_0 : i32, i32, i32, i32
  }
}

</mosaic_0001>

<sc_bundles>
// kernel: kernel.4.cloned.1.call-start
scs
__scs_entry_jumppad:
0x0: {  	(pc) =	sbr.rel $0x88, $3  }
0x1: {  	(tag) =	ssettag $0x0;
	lr =	simm.s32 $0x1  }
0x2: {  	[smem:$0x3F9F] =	sst lr;
	_ =	strace $0xD0000000  }
0x3: {  	_ = 	snop  }
0x4: {  	_ = 	snop  }
0x5: {  	_ = 	snop  }
0x6: {  	_ = 	snop  }
0x7: {  	_ = 	snop  }
__scs_overlays_trampoline_lowered:
0x8: {  	[smem:$0x3FAE] =	sst s0  }
0x9: {  	[smem:$0x3FAF] =	sst s1  }
0xa: {  	[smem:$0x3FB0] =	sst s2  }
0xb: {  	[smem:$0x3FB1] =	sst s3  }
0xc: {  	[smem:$0x3FB2] =	sst s4  }
0xd: {  	[smem:$0x3FB3] =	sst s5  }
0xe: {  	[smem:$0x3FB4] =	sst s6  }
0xf: {  	[smem:$0x3FB5] =	sst s7  }
0x10: {  	[smem:$0x3FB6] =	sst s8  }
0x11: {  	[smem:$0x3FB7] =	sst s9;
	s0 =	simm.s32 @!p0 $0x0  }
0x12: {  	s1 =	sld [smem:$0x3F9D];
	s0 =	simm.s32 @p0 $0x1  }
0x13: {  	[smem:$0x3FB8] =	sst s0;
	s0 =	simm.s32 @!p1 $0x0  }
0x14: {  	s2 =	sld [smem:$0x3F9C];
	s0 =	simm.s32 @p1 $0x1  }
0x15: {  	[smem:$0x3FB9] =	sst s0;
	s0 =	simm.s32 @!p2 $0x0  }
0x16: {  	s3 =	sld [smem:$0x3FDB];
	s0 =	simm.s32 @p2 $0x1  }
0x17: {  	s4 =	simm.s32 $0x1BF5;
	[smem:$0x3FBB] =	sst s0  }
0x18: {  	s0 =	sld [smem:$0x3F9E];
	_ =	swait.ge [sflag:s4], $0x0  }
0x19: {  	s7 =	sld [smem:$0x3F9F]  }
0x1a: {  	s8 =	sadd.s32 $0xFFFFE003, lr  }
0x1b: {  	s9 =	sadd.s32 $0xFFFFFEF7, lr;
	s5 =	simm.s32 $0xFFFFFFFF;
	p2 =	slt.u32 s8, $0xFFFFF086  }
0x1c: {  	p1 =	slt.u32 s9, $0xF7A;
	s5 =	simm.s32 @!p2 $0x0  }
0x1d: {  	s5 =	simm.s32 @p1 $0x1;
	p0 =	seq.s32 s7, s2  }
0x1e: {  	s7 =	smul.u32 @!p0 $0xF7A, s2;
	p2 =	seq.s32 @!p0 s5, $0x0  }
0x1f: {  	s9 =	smul.u32 $0xF7A, s1;
	s8 =	simm.s32 @!p0 $0x1BF5;
	p2 =	por !p2, p0  }
0x20: {  	[sflag:s8] =	ssyncset.s32 @!p0 $0xFFFFF086;
	s6 =	sadd.s32 @!p0 s3, s7;
	s7 =	simm.s32 @!p0 $0x108  }
0x21: {  	s3 =	sadd.s32 s3, s9;
	s6 =	sadd.s32 @!p0 $0x88, s6;
	s7 =	simm.s32 @p2 $0x1082  }
0x22: {  	[simem:s7], [sflag:s8] =	dma.local @!p0 [hbm:s6], $0xF7A  }
0x23: {  	s9 =	sor.u32 $0xD0000000, s2;
	s6 =	simm.s32 $0x108;
	_ =	swait.ge @!p0 [sflag:s8], $0x0  }
0x24: {  	s3 =	sadd.s32 $0x88, s3;
	s6 =	simm.s32 @!p1 $0x1082;
	[sflag:s4] =	ssyncset.s32 $0xFFFFF086  }
0x25: {  	[simem:s6], [sflag:s4] =	dma.local [hbm:s3], $0xF7A  }
0x26: {  	[smem:$0x3F9F] =	sst s1;
	(tag) =	ssettag s2;
	_ =	strace s9  }
0x27: {  	s1 =	sld [smem:$0x3FAF]  }
0x28: {  	s2 =	sld [smem:$0x3FB0]  }
0x29: {  	s4 =	sld [smem:$0x3FB2]  }
0x2a: {  	p0 =	seq.s32 s5, $0x0;
	s5 =	sld [smem:$0x3FB3]  }
0x2b: {  	s6 =	sld [smem:$0x3FB4]  }
0x2c: {  	s7 =	sld [smem:$0x3FB5]  }
0x2d: {  	s3 =	simm.s32 $0x108;
	s8 =	sld [smem:$0x3FB6]  }
0x2e: {  	s3 =	simm.s32 @!p0 $0x1082;
	s9 =	sld [smem:$0x3FB7]  }
0x2f: {  	lr =	sadd.s32 s0, s3;
	s0 =	sld [smem:$0x3FAE]  }
0x30: {  	s3 =	sld [smem:$0x3FB1]  }
0x31: {  	[smem:$0x3FBA] =	sst s10  }
0x32: {  	s10 =	sld [smem:$0x3FB8];
	_ =	sdelay $0x3  }
0x33: {  	p0 =	seq.s32 s10, $0x1;
	s10 =	sld [smem:$0x3FBA];
	_ =	sdelay $0x3  }
0x34: {  	[smem:$0x3FBA] =	sst s10  }
0x35: {  	s10 =	sld [smem:$0x3FB9];
	_ =	sdelay $0x3  }
0x36: {  	p1 =	seq.s32 s10, $0x1;
	s10 =	sld [smem:$0x3FBA];
	_ =	sdelay $0x3  }
0x37: {  	[smem:$0x3FBA] =	sst s10  }
0x38: {  	s10 =	sld [smem:$0x3FBB]  }
0x39: {  	_ = 	snop;
	(pc) =	sbr.ind lr, $3  }
0x3a: {  	_ = 	snop  }
0x3b: {  	_ = 	snop  }
0x3c: {  	p2 =	seq.s32 s10, $0x1;
	s10 =	sld [smem:$0x3FBA]  }
0x3d: {  	_ =	shalt  }
0x3e: {  	_ =	shalt  }
0x3f: {  	_ =	shalt  }
0x40: {  	_ =	shalt  }
0x41: {  	_ =	shalt  }
0x42: {  	_ =	shalt  }
0x43: {  	_ =	shalt  }
0x44: {  	_ =	shalt  }
0x45: {  	_ =	shalt  }
0x46: {  	_ =	shalt  }
0x47: {  	_ =	shalt  }
0x48: {  	_ =	shalt  }
0x49: {  	_ =	shalt  }
0x4a: {  	_ =	shalt  }
0x4b: {  	_ =	shalt  }
0x4c: {  	_ =	shalt  }
0x4d: {  	_ =	shalt  }
0x4e: {  	_ =	shalt  }
0x4f: {  	_ =	shalt  }
0x50: {  	_ =	shalt  }
0x51: {  	_ =	shalt  }
0x52: {  	_ =	shalt  }
0x53: {  	_ =	shalt  }
0x54: {  	_ =	shalt  }
0x55: {  	_ =	shalt  }
0x56: {  	_ =	shalt  }
0x57: {  	_ =	shalt  }
0x58: {  	_ =	shalt  }
0x59: {  	_ =	shalt  }
0x5a: {  	_ =	shalt  }
0x5b: {  	_ =	shalt  }
0x5c: {  	_ =	shalt  }
0x5d: {  	_ =	shalt  }
0x5e: {  	_ =	shalt  }
0x5f: {  	_ =	shalt  }
0x60: {  	_ =	shalt  }
0x61: {  	_ =	shalt  }
0x62: {  	_ =	shalt  }
0x63: {  	_ =	shalt  }
0x64: {  	_ =	shalt  }
0x65: {  	_ =	shalt  }
0x66: {  	_ =	shalt  }
0x67: {  	_ =	shalt  }
0x68: {  	_ =	shalt  }
0x69: {  	_ =	shalt  }
0x6a: {  	_ =	shalt  }
0x6b: {  	_ =	shalt  }
0x6c: {  	_ =	shalt  }
0x6d: {  	_ =	shalt  }
0x6e: {  	_ =	shalt  }
0x6f: {  	_ =	shalt  }
0x70: {  	_ =	shalt  }
0x71: {  	_ =	shalt  }
0x72: {  	_ =	shalt  }
0x73: {  	_ =	shalt  }
0x74: {  	_ =	shalt  }
0x75: {  	_ =	shalt  }
0x76: {  	_ =	shalt  }
0x77: {  	_ =	shalt  }
0x78: {  	_ =	shalt  }
0x79: {  	_ =	shalt  }
0x7a: {  	_ =	shalt  }
0x7b: {  	_ =	shalt  }
0x7c: {  	_ =	shalt  }
0x7d: {  	_ =	shalt  }
0x7e: {  	_ =	shalt  }
0x7f: {  	_ =	shalt  }
0x80: {  	_ =	shalt  }
0x81: {  	_ =	shalt  }
0x82: {  	_ =	shalt  }
0x83: {  	_ =	shalt  }
0x84: {  	_ =	shalt  }
0x85: {  	_ =	shalt  }
0x86: {  	_ =	shalt  }
0x87: {  	_ =	shalt  }
.Lfunc_end0:
.L_simem_size_0:
called_computation_lowered:
.L_overlay_start_0:
0x88: {  	s2 =	sld [smem:$0x3FD9]  }
0x89: {  	s3 =	sld [smem:$0x3FFE];
	_ =	sdelay $0x1  }
0x8a: {  	s1 =	srdreg.scid  }
0x8b: {  	s0 =	sand.u32 $0x1, s1  }
0x8c: {  	s16 =	sshll.u32 s0, $0xA;
	s2 =	sadd.s32 s3, s2  }
0x8d: {  	s2 =	sadd.s32 s2, s16  }
0x8e: {  	[smem:$0x3FC6] =	sst s2  }
0x8f: {  	_ = 	snop  }
0x90: {  	(tm) =	ssettm $0x1  }
0x91: {  	s17 =	sld [smem:$0x3FFB];
	_ =	sdelay $0x3  }
0x92: {  	_ =	strace s17  }
0x93: {  	s2 =	sld [smem:$0x3FFC];
	_ =	sdelay $0x3  }
0x94: {  	_ =	strace s2  }
0x95: {  	s2 =	sld [smem:$0x3FFD];
	_ =	sdelay $0x3  }
0x96: {  	_ =	strace s2  }
0x97: {  	_ =	strace $0x8FFFFFFF  }
0x98: {  	s18 =	sld [smem:$0x3FDB];
	_ =	sdelay $0x1  }
0x99: {  	s19 =	simm.s32 $_scs_section_size  }
0x9a: {  	s4 =	simm.s32 $_size__tile_overlayer_lowered;
	s5 =	simm.s32 $_tile_overlayer_lowered  }
0x9b: {  	s22 =	simm.s32 $0x1BFF;
	s21 =	sshll.u32 s5, $0x1;
	s2 =	sadd.s32 s19, s18  }
0x9c: {  	s6 =	simm.s32 $0x0;
	s20 =	sshll.u32 s4, $0x1;
	s4 =	sadd.s32 s21, s2  }
0x9d: {  	[timem:s6], [sflag:s22] =	dma.local [hbm:s4], s20  }
0x9e: {  	_ =	swait.ge [sflag:s22], s20  }
0x9f: {  	s3 =	ssub.s32 $0x0, s20;
	[sflag:s22] =	ssyncset.done $0x0  }
0xa0: {  	[sflag:s22] =	ssyncadd.s32 s3;
	_ =	sdelay $0x1  }
0xa1: {  	s23 =	simm.s32 $0x1B8B  }
0xa2: {  	_ =	swait.ge [sflag:s23], $0x1  }
0xa3: {  	[sflag:s23] =	ssyncset.done $0x0  }
0xa4: {  	s25 =	simm.s32 $0x1B8E;
	s24 =	sld [smem:$0x3FFE];
	[sflag:s23] =	ssyncadd.s32 $0xFFFFFFFF  }
0xa5: {  	s26 =	simm.s32 $execute0_lowered;
	[smem:$0x3FD2] =	sst s25  }
0xa6: {  	s4 =	sshll.u32 s26, $0x1;
	_ =	strace $0x80000046;
	[dreg:$0x1] =	wrdreg $0xFFFFFFFF  }
0xa7: {  	s28 =	simm.s32 $_size_execute0_lowered;
	s2 =	sadd.s32 s2, s4;
	[dreg:$0x0] =	wrdreg $0x0  }
0xa8: {  	s4 =	sshll.u32 s28, $0x1;
	[dreg:$0x2] =	wrdreg s2  }
0xa9: {  	[dreg:$0x3] =	wrdreg s4  }
0xaa: {  	[dreg:$0x4] =	wrdreg $0xC0  }
0xab: {  	_ =	task [dreg:s6], $0x5FFFF  }
0xac: {  	[dreg:$0x1] =	wrdreg $0xFFFFFFFF  }
0xad: {  	[dreg:$0x0] =	wrdreg $0x60  }
0xae: {  	[dreg:$0x2] =	wrdreg s24  }
0xaf: {  	[dreg:$0x3] =	wrdreg $0x9  }
0xb0: {  	_ =	task.clear_ibuf [dreg:s6], $0x4FFFF;
	_ =	strace $0x90000046  }
0xb1: {  	s29 =	simm.s32 $0x9;
	_ =	strace $0x80000048  }
0xb2: {  	_ =	swait.ge [sflag:s29], $0x1  }
0xb3: {  	[sflag:s29] =	ssyncadd.s32 $0xFFFFFFFF  }
0xb4: {  	_ =	strace $0x90000048  }
0xb5: {  	_ =	sfence  }
0xb6: {  	s30 =	sld [smem:$0x0];
	_ =	sdelay $0x2  }
0xb7: {  	s31 =	sshll.u32 s1, $0xD;
	s1 =	sshrl.u32 s1, $0x2  }
0xb8: {  	s3 =	sand.u32 $0x4000, s31;
	s1 =	sadd.s32 s1, s30  }
0xb9: {  	s0 =	sor.u32 s3, s0;
	s1 =	sshll.u32 s1, $0x11  }
0xba: {  	s0 =	sor.u32 s1, s0  }
0xbb: {  	s0 =	sadd.s32 $0x8F2B, s0  }
0xbc: {  	[sflag:s0] =	ssyncadd.remote.s32 $0x1  }
0xbd: {  	_ =	sfence.sel $0xFFFF  }
0xbe: {  	[dreg:$0x0] =	wrdreg $0xFFFFFFFF;
	(pc) =	sbr.abs _section_cstart, $3  }
0xbf: {  	[dreg:$0x1] =	wrdreg $0xFFFFFFFF  }
0xc0: {  	_ =	task.clear_ibuf [dreg:s6], $0x2FFFF;
	_ =	strace $0x9FFFFFFF  }
0xc1: {  	(tm) =	ssettm $0x7FFFFFFF  }
tec
execute0_lowered:
.L_overlay_start_1:
0x0: {  	(tag) =	ssettag $0x1  }
0x1: {  	s1 =	srdreg.scid;
	s0 =	stileid.u32  }
0x2: {  	s4 =	rddreg [dreg:$0x0];
	s2 =	simm.s32 $0x0;
	s10 =	simm.s32 $0x3000  }
0x3: {  	s11 =	simm.s32 $0x0;
	s3 =	sand.u32 $0x1, s1;
	s1 =	rddreg [dreg:$0x1]  }
0x4: {  	s29 =	sshll.u32 s0, $0x1;
	s7 =	sshll.u32 s0, $0xC;
	[smem:$0x7FF] =	sst s2  }
0x5: {  	s5 =	sor.u32 s3, s29;
	s30 =	sand.u32 $0xE000, s7;
	_ =	strace $0x80000047  }
0x6: {  	s3 =	ssub.s32 $0x2, s3;
	s6 =	sshll.u32 s5, $0xB;
	s5 =	sshll.u32 s5, $0x4  }
0x7: {  	s8 =	sshrl.u32 s3, $0x1;
	s31 =	sshrl.u32 s30, $0x3;
	s9 =	sand.u32 $0x1800, s6  }
0x8: {  	s5 =	sadd.s32 s5, s4;
	s8 =	ssub.s32 s3, s8;
	s7 =	sor.u32 s30, s9  }
0x9: {  	s3 =	sadd.s32 s4, s31;
	s5 =	sadd.s32 $0x4000, s5;
	s7 =	sshrl.u32 s7, $0x3  }
0xa: {  	s6 =	smax.u32 s8, $0x1;
	s8 =	simm.s32 $0x2000;
	s7 =	sadd.s32 s7, s4  }
0xb: {  	v1 =	vimm.f32 $0.0e+00;
	v2 =	vimm.f32 $1.000000000e+00;
	v0 =	vmov s9;
	s9 =	simm.s32 $0x2800;
	s4 =	sadd.s32 $0x2000, s7;
	s7 =	simm.s32 $0x1  }
.LBB2_1:
0xc: {  	[tilespmem:s2], [sflag:$0x1] =	stream.linear.gather [hbm4b:s3+s2], $0x2000, $0x38;
	[tilespmem:$0x3080] =	vst v63  }
0xd: {  	_ =	swait.ge [sflag:s7], $0x2000  }
0xe: {  	[sflag:s7] =	ssyncset.done $0x0  }
0xf: {  	[sflag:s7] =	ssyncadd.s32 $0xFFFFE000  }
0x10: {  	[tilespmem:s8], [sflag:$0x1] =	stream.linear.gather [hbm4b:s4+s2], $0x800, $0x38;
	[tilespmem:$0x3080] =	vst v63  }
0x11: {  	_ =	swait.ge [sflag:s7], $0x800  }
0x12: {  	[sflag:s7] =	ssyncset.done $0x0  }
0x13: {  	s12 =	simm.s32 $0x40;
	s13 =	simm.s32 $0x0;
	[sflag:s7] =	ssyncadd.s32 $0xFFFFF800  }
.LBB2_2:
0x14: {  	p0 =	sne.s32 s12, $0x1FC0;
	[tilespmem:s13+$0x2800] =	vst v1;
	s13 =	smov.u32 s12;
	s12 =	sadd.s32 $0x40, s12  }
.Ltmp0:
0x15: {  	(pc) =	sbr.rel @p0 .LBB2_2-.Ltmp0, $2  }
0x16: {  	_ =	sdelay $0x2  }
0x17: {  	s13 =	sshra.s32 s13, $0x2  }
0x18: {  	[tilespmem:s13+$0x2800] =	vst v1;
	s12 =	simm.s32 $0x0  }
.LBB2_4:
0x19: {  	s13 =	sshra.s32 s12, $0x2  }
0x1a: {  	v3 =	vld [tilespmem:s13+$0x0];
	_ =	sdelay $0x4  }
0x1b: {  	v3 =	vsub.s32 v3, v0  }
0x1c: {  	vm0 =	vgt.s32 v3, $0x0  }
0x1d: {  	vm1 =	vlt.u32 v3, $0x800;
	v3 =	vnsel vm0, $0x0, v3  }
0x1e: {  	p0 =	sne.s32 s12, $0x7FC0;
	v3 =	vmin.u32 v3, $0x7FF  }
.Ltmp1:
0x1f: {  	_ = 	snop;
	(pc) =	sbr.rel @p0 .LBB2_4-.Ltmp1, $2  }
0x20: {  	_ =	sdelay $0x2  }
0x21: {  	s12 =	sadd.s32 $0x40, s12;
	[tilespmem:v3+s9+$0x0] =	vst.idx.msk vm1, v2  }
0x22: {  	s13 =	simm.s32 $0x0  }
0x23: {  	v4 =	vld [tilespmem:s13+$0x2800]  }
0x24: {  	v3 =	vimm.f32 $0.0e+00;
	s12 =	simm.s32 $0x40;
	v5 =	vld [tilespmem:s13+$0x2000]  }
.LBB2_6:
0x25: {  	_ = 	snop  }
0x26: {  	p0 =	sne.s32 s12, $0x1FC0  }
.Ltmp2:
0x27: {  	_ = 	snop;
	(pc) =	sbr.rel @p0 .LBB2_6-.Ltmp2, $4  }
0x28: {  	_ = 	snop  }
0x29: {  	s13 =	sshra.s32 s12, $0x2;
	v6 =	vmul.f32 v5, v4  }
0x2a: {  	v4 =	vld [tilespmem:s13+$0x2800]  }
0x2b: {  	s12 =	sadd.s32 $0x40, s12;
	v5 =	vld [tilespmem:s13+$0x2000];
	v3 =	vadd.f32 v6, v3  }
0x2c: {  	_ =	sdelay $0x3  }
0x2d: {  	v4 =	vmul.f32 v5, v4;
	_ =	sdelay $0x1  }
0x2e: {  	s11 =	sadd.s32 $0x1, s11;
	v3 =	vadd.f32 v4, v3  }
0x2f: {  	p0 =	sne.s32 s11, s6  }
.Ltmp3:
0x30: {  	[tilespmem:$0x3000] =	vst v3;
	(pc) =	sbr.rel @p0 .LBB2_1-.Ltmp3, $4  }
0x31: {  	[hbm4b:s5+s2] =	stream.linear.scatter [tilespmem:s10], [sflag:$0x1], $0x80, $0x38;
	[tilespmem:$0x3080] =	vst v63  }
0x32: {  	_ =	swait.ge [sflag:s7], $0x80  }
0x33: {  	[sflag:s7] =	ssyncset.done $0x0  }
0x34: {  	[sflag:s7] =	ssyncadd.s32 $0xFFFFFF80  }
0x35: {  	_ =	sfence.sel $0x180000  }
0x36: {  	[bflag:$0x0] =	sbarrier.arrive $0xFFFF  }
0x37: {  	p0 =	sne.s32 s0, $0x0;
	_ =	strace $0x90000047  }
0x38: {  	s0 =	sadd.s32 @!p0 $0x100000, s1;
	[bflag:$0x2] =	sbarrier.arrive $0xFFFF  }
0x39: {  	[sflag:s0] =	ssyncadd.tile.s32 @!p0 $0x1;
	_ =	shalt  }
.Lfunc_end2:
_tile_overlayer_lowered:
.L_overlay_start_2:
0x3a: {  	(tag) =	ssettag $0x2  }
0x3b: {  	s0 =	rddreg [dreg:$0x0];
	s2 =	stileid.u32  }
0x3c: {  	s1 =	rddreg [dreg:$0x1];
	p0 =	sne.s32 s2, $0x0  }
0x3d: {  	s3 =	rddreg [dreg:$0x2];
	[bflag:$0x3] =	sbarrier.arrive $0xFFFF;
	s2 =	simm.s32 @!p0 $0x1C01  }
0x3e: {  	[timem:s3], [sflag:s2] =	dma.local @!p0 [hbm:s0], s1  }
0x3f: {  	s0 =	simm.s32 @!p0 $0x1  }
0x40: {  	_ =	swait.ge @!p0 [sflag:s0], s1  }
0x41: {  	s1 =	ssub.s32 @!p0 $0x0, s1;
	[sflag:s0] =	ssyncset.done @!p0 $0x0  }
0x42: {  	[sflag:s0] =	ssyncadd.s32 @!p0 s1  }
0x43: {  	[bflag:$0x3] =	sbarrier.arrive $0xFFFF  }
0x44: {  	_ =	shalt  }

</sc_bundles>
